<compile_context>
chip_gen: v7x
topology: tpu7x:2x2x1
jax: 0.10.2.dev20260603
libtpu: 0.0.44.dev20260713+nightly
codegen_flags: <defaults>
</compile_context>

<pallas_src>
import functools
import math

import jax
import jax.numpy as jnp
from jax import lax
from jax.experimental import pallas as pl
from jax.experimental.pallas import tpu as pltpu
from jax.experimental.pallas import tpu_sc as plsc

_TOP_K = 2
_CAP_FACTOR = 1.25



def _pack_body(cap, E, TB, lg_ref, sc0_ref, sc1_ref, sg0_ref, sg1_ref,
               w0_ref, w1_ref, cnt_ref, carry_ref):
    i = pl.program_id(0)

    @pl.when(i == 0)
    def _init():
        carry_ref[...] = jnp.zeros_like(carry_ref)

    lg = lg_ref[0]
    sub = jax.lax.broadcasted_iota(jnp.int32, (E, TB), 0)

    v0 = jnp.max(lg, axis=0, keepdims=True)
    i0 = jnp.min(jnp.where(lg == v0, sub, E), axis=0, keepdims=True)
    ex0 = (sub == i0)
    lg1 = jnp.where(ex0, -jnp.inf, lg)
    v1 = jnp.max(lg1, axis=0, keepdims=True)
    i1 = jnp.min(jnp.where(lg1 == v1, sub, E), axis=0, keepdims=True)
    ex1 = (sub == i1)

    m = jnp.maximum(v0, v1)
    e0 = jnp.exp(v0 - m)
    e1 = jnp.exp(v1 - m)
    den = e0 + e1 + 1e-12
    p0 = e0 / den
    p1 = e1 / den

    ex0f = ex0.astype(jnp.float32)
    ex1f = ex1.astype(jnp.float32)
    comb = ex0f + ex1f
    r = jax.lax.broadcasted_iota(jnp.int32, (TB, TB), 0)
    c = jax.lax.broadcasted_iota(jnp.int32, (TB, TB), 1)
    U = (r < c).astype(jnp.float32)
    excl = jax.lax.dot_general(comb, U, (((1,), (0,)), ((), ())),
                               preferred_element_type=jnp.float32)
    tot = excl + carry_ref[:, :1]
    rank0 = jnp.sum(ex0f * tot, axis=0, keepdims=True).astype(jnp.int32)
    rank1 = jnp.sum(ex1f * tot, axis=0, keepdims=True).astype(jnp.int32)
    carry_ref[:, :1] += jnp.sum(comb, axis=1, keepdims=True)

    trash = E * cap
    slot0 = i0 * cap + rank0
    slot1 = i1 * cap + rank1
    k0 = rank0 < cap
    k1 = rank1 < cap
    sc0_ref[...] = jnp.where(k0, slot0, trash).reshape(1, 1, TB)
    sc1_ref[...] = jnp.where(k1, slot1, trash).reshape(1, 1, TB)
    sg0_ref[...] = jnp.where(k0, slot0, 0).reshape(1, 1, TB)
    sg1_ref[...] = jnp.where(k1, slot1, 0).reshape(1, 1, TB)
    w0_ref[...] = jnp.where(k0, p0, 0.0).reshape(1, 1, TB)
    w1_ref[...] = jnp.where(k1, p1, 0.0).reshape(1, 1, TB)
    cnt_ref[...] = carry_ref[...]


def _pack(logits_t, cap, token_block=256):
    E, T = logits_t.shape
    TB = min(token_block, T)
    nb = T // TB
    i32 = jax.ShapeDtypeStruct((nb, 1, TB), jnp.int32)
    f32 = jax.ShapeDtypeStruct((nb, 1, TB), jnp.float32)
    ospec = pl.BlockSpec((1, 1, TB), lambda i: (i, 0, 0))
    outs = pl.pallas_call(
        functools.partial(_pack_body, cap, E, TB),
        grid=(nb,),
        in_specs=[pl.BlockSpec((1, E, TB), lambda i: (0, 0, i))],
        out_specs=[ospec] * 6 + [pl.BlockSpec((E, 128), lambda i: (0, 0))],
        out_shape=[i32, i32, i32, i32, f32, f32,
                   jax.ShapeDtypeStruct((E, 128), jnp.float32)],
        scratch_shapes=[pltpu.VMEM((E, 128), jnp.float32)],
        compiler_params=pltpu.CompilerParams(
            dimension_semantics=("arbitrary",)),
    )(logits_t.reshape(1, E, T))
    return [o.reshape(T) for o in outs[:6]] + [outs[6][:, 0].astype(jnp.int32)]



def _invert_slots(sc0, sc1, n_slots):
    T = sc0.shape[0]
    n_pad = n_slots + 8
    mesh = plsc.VectorSubcoreMesh(core_axis_name="c", subcore_axis_name="s")
    nw = 32
    per = T // nw

    @functools.partial(
        pl.kernel, mesh=mesh,
        out_type=jax.ShapeDtypeStruct((n_pad,), jnp.int32),
        scratch_types=[
            pltpu.VMEM((per,), jnp.int32),
            pltpu.VMEM((per,), jnp.int32),
            pltpu.SemaphoreType.DMA,
        ],
    )
    def k(sc0_hbm, sc1_hbm, out_hbm, idx_v, val_v, sem):
        wid = lax.axis_index("s") * 2 + lax.axis_index("c")
        base = wid * per
        for i in range(per // 16):
            val_v[pl.ds(i * 16, 16)] = lax.iota(jnp.int32, 16) + (base + i * 16)
        pltpu.sync_copy(sc0_hbm.at[pl.ds(base, per)], idx_v)
        pltpu.async_copy(val_v, out_hbm.at[idx_v], sem).wait()
        pltpu.sync_copy(sc1_hbm.at[pl.ds(base, per)], idx_v)
        pltpu.async_copy(val_v, out_hbm.at[idx_v], sem).wait()

    return k(sc0, sc1)[:n_slots]



def _ffn_body(x_ref, w1_ref, w2_ref, o_ref, acc_ref):
    j = pl.program_id(1)
    nj = pl.num_programs(1)
    xb = x_ref[0]
    w1 = w1_ref[0].astype(jnp.bfloat16)
    w2 = w2_ref[0].astype(jnp.bfloat16)
    h = jax.lax.dot_general(xb, w1, (((1,), (1,)), ((), ())),
                            preferred_element_type=jnp.float32)
    h = 0.5 * h * (1.0 + jax.lax.erf(h * 0.7071067811865476))
    y = jax.lax.dot_general(h.astype(jnp.bfloat16), w2,
                            (((1,), (1,)), ((), ())),
                            preferred_element_type=jnp.float32)

    @pl.when(j == 0)
    def _init():
        acc_ref[...] = y

    @pl.when(j != 0)
    def _acc():
        acc_ref[...] += y

    @pl.when(j == nj - 1)
    def _flush():
        o_ref[0] = acc_ref[...].astype(jnp.bfloat16)


def _expert_ffn(counts, xbuf, fc1, fc2, block_ff=1024):
    del counts
    E, cap, D = xbuf.shape
    DFF = fc1.shape[1]
    block_ff = min(block_ff, DFF)
    nj = DFF // block_ff
    return pl.pallas_call(
        _ffn_body,
        grid=(E, nj),
        in_specs=[
            pl.BlockSpec((1, cap, D), lambda e, j: (e, 0, 0)),
            pl.BlockSpec((1, block_ff, D), lambda e, j: (e, j, 0)),
            pl.BlockSpec((1, D, block_ff), lambda e, j: (e, 0, j)),
        ],
        out_specs=pl.BlockSpec((1, cap, D), lambda e, j: (e, 0, 0)),
        out_shape=jax.ShapeDtypeStruct((E, cap, D), jnp.bfloat16),
        scratch_shapes=[pltpu.VMEM((cap, D), jnp.float32)],
        compiler_params=pltpu.CompilerParams(
            dimension_semantics=("arbitrary", "arbitrary")),
    )(xbuf, fc1, fc2)



def kernel(x, W_router, fc1, fc2):
    T, D = x.shape
    E = W_router.shape[0]
    S = T * _TOP_K
    cap = max(1, math.ceil(S * _CAP_FACTOR / E))

    logits = x @ W_router.T
    sc0, sc1, sg0, sg1, w0, w1, counts = _pack(logits.T, cap)

    src = _invert_slots(sc0, sc1, E * cap)
    xbuf = x.astype(jnp.bfloat16)[src].reshape(E, cap, D)

    y = _expert_ffn(counts, xbuf, fc1, fc2).reshape(E * cap, D)

    return y[sg0] * w0[:, None] + y[sg1] * w1[:, None]

# --- scband reference (transcript-rebuilt; emitter-appended) ---
"""Pipeline reference for scband-mo-efeed-forward-dmo-e-61074434949385 (READ-ONLY COPY).

The authoritative reference and input builder live on the scoring server;
editing this copy changes nothing except your own understanding.
"""

import jax, jax.numpy as jnp
import numpy as np
import math

E = 8
TOP_K = 2
D_MODEL = 1024
D_FF = 4096
CAPACITY_FACTOR = 1.25
T = 4096


def setup_inputs(seed: int = 0) -> dict:
    key = jax.random.key(seed)
    k1, k2, k3, k4 = jax.random.split(key, 4)
    x = jax.random.normal(k1, (T, D_MODEL), dtype=jnp.float32)
    bound = 0.02 * math.sqrt(3.0)
    W_router = jax.random.uniform(k2, (E, D_MODEL), dtype=jnp.float32, minval=-bound, maxval=bound)
    s1 = math.sqrt(6.0 / (D_MODEL + D_FF))
    fc1 = jax.random.uniform(k3, (E, D_FF, D_MODEL), dtype=jnp.float32, minval=-s1, maxval=s1)
    fc2 = jax.random.uniform(k4, (E, D_MODEL, D_FF), dtype=jnp.float32, minval=-s1, maxval=s1)
    return {"x": x, "W_router": W_router, "fc1": fc1, "fc2": fc2}


def reference(x, W_router, fc1, fc2):
    Tn, D = x.shape
    # --- NoisyTopKRouter (eval mode: no jitter, no dropout, no bias) ---
    logits = x @ W_router.T
    # --- optimized_topk_routing: topk on raw logits, softmax within K ---
    top_v, top_i = jax.lax.top_k(logits, TOP_K)
    m = jnp.max(top_v, axis=-1, keepdims=True)
    expv = jnp.exp(top_v - m)
    top_p = expv / (expv.sum(axis=-1, keepdims=True) + 1e-12)
    # --- DroplessPackedDispatcher.pack ---
    experts = top_i.reshape(-1)
    weights = top_p.reshape(-1)
    tokens = jnp.repeat(jnp.arange(Tn), TOP_K)
    S = Tn * TOP_K
    sort_idx = jnp.argsort(experts, stable=True)
    experts_sorted = experts[sort_idx]
    weights_sorted = weights[sort_idx]
    tokens_sorted = tokens[sort_idx]
    counts = jnp.bincount(experts_sorted, length=E)
    offsets = jnp.concatenate([jnp.zeros((1,), dtype=counts.dtype), jnp.cumsum(counts)])
    per_expert_cap = max(1, math.ceil(Tn * TOP_K * CAPACITY_FACTOR / E))
    idx_in_expert = jnp.arange(S) - offsets[experts_sorted]
    buf_x = jnp.zeros((E, per_expert_cap, D), dtype=x.dtype)
    buf_x = buf_x.at[experts_sorted, idx_in_expert].set(x[tokens_sorted], mode='drop')
    buf_w = jnp.zeros((E, per_expert_cap), dtype=weights_sorted.dtype)
    buf_w = buf_w.at[experts_sorted, idx_in_expert].set(weights_sorted, mode='drop')
    buf_t = jnp.zeros((E, per_expert_cap), dtype=tokens_sorted.dtype)
    buf_t = buf_t.at[experts_sorted, idx_in_expert].set(tokens_sorted, mode='drop')
    # --- per-expert FFN (MoE_FFNExpert, gelu, no bias) ---
    h = jax.vmap(lambda seg, w1: jax.nn.gelu(seg @ w1.T, approximate=False))(buf_x, fc1)
    packed_y = jax.vmap(lambda hh, w2: hh @ w2.T)(h, fc2)
    # --- scatter_back: weighted index_add ---
    out = jnp.zeros((Tn, D), dtype=x.dtype)
    out = out.at[buf_t.reshape(-1)].add(packed_y.reshape(-1, D) * buf_w.reshape(-1)[:, None])
    return out

if __name__ == "__main__":
    import jax
    _d = setup_inputs()
    print(jax.jit(kernel)(*tuple(_d.values())))

</pallas_src>

<mosaic_0001>
#map = affine_map<(d0, d1) -> (0)>
module attributes {stable_mosaic.version = 14 : i64} {
  func.func @k(%arg0: i32, %arg1: i32, %arg2: memref<4096xi32, #tpu.memory_space<hbm>>, %arg3: memref<4096xi32, #tpu.memory_space<hbm>>, %arg4: memref<10248xi32, #tpu.memory_space<hbm>>, %arg5: memref<128xi32, #tpu.memory_space<vmem>>, %arg6: memref<128xi32, #tpu.memory_space<vmem>>, %arg7: memref<!tpu.dma_semaphore, #tpu.memory_space<semaphore_mem>>) attributes {dimension_semantics = [#tpu.dimension_semantics<core_parallel>, #tpu.dimension_semantics<subcore_parallel>], iteration_bounds = array<i64: 2, 16>, scalar_prefetch = 0 : i64, scratch_operands = 3 : i64, tpu.core_type = #tpu.core_type<sc_vector_subcore>, window_params = [{transform_indices = #map}, {transform_indices = #map}, {transform_indices = #map}]} {
    %mul3A = arith.constant 2 : i32
    %mul3A_0 = arith.muli %arg1, %mul3A : i32
    %add3A = arith.addi %mul3A_0, %arg0 : i32
    %mul3A_1 = arith.constant 128 : i32
    %mul3A_2 = arith.muli %add3A, %mul3A_1 : i32
    %iota3A = tpu.iota {dimensions = array<i32: 0>} : vector<16xi32>
    %add3A_3 = arith.constant 0 : i32
    %add3A_4 = arith.addi %mul3A_2, %add3A_3 : i32
    %add3A_5 = vector.broadcast %add3A_4 : i32 to vector<16xi32>
    %add3A_6 = arith.addi %iota3A, %add3A_5 : vector<16xi32>
    %swap3A = arith.constant 0 : index
    %swap3A_7 = tpu.vector_load %arg6[%swap3A] {strides = array<i32>} : memref<128xi32, #tpu.memory_space<vmem>>, vector<16xi32>,
    %swap3A_8 = vector.shape_cast %swap3A_7 : vector<16xi32> to vector<16xi32>
    %swap3A_9 = vector.shape_cast %add3A_6 : vector<16xi32> to vector<16xi32>
    tpu.vector_store %arg6[%swap3A], %swap3A_9 {strides = array<i32>} : memref<128xi32, #tpu.memory_space<vmem>>, vector<16xi32>,
    %iota3A_10 = tpu.iota {dimensions = array<i32: 0>} : vector<16xi32>
    %add3A_11 = arith.constant 16 : i32
    %add3A_12 = arith.addi %mul3A_2, %add3A_11 : i32
    %add3A_13 = vector.broadcast %add3A_12 : i32 to vector<16xi32>
    %add3A_14 = arith.addi %iota3A_10, %add3A_13 : vector<16xi32>
    %swap3A_15 = arith.constant 16 : index
    %swap3A_16 = tpu.vector_load %arg6[%swap3A_15] {strides = array<i32>} : memref<128xi32, #tpu.memory_space<vmem>>, vector<16xi32>,
    %swap3A_17 = vector.shape_cast %swap3A_16 : vector<16xi32> to vector<16xi32>
    %swap3A_18 = vector.shape_cast %add3A_14 : vector<16xi32> to vector<16xi32>
    tpu.vector_store %arg6[%swap3A_15], %swap3A_18 {strides = array<i32>} : memref<128xi32, #tpu.memory_space<vmem>>, vector<16xi32>,
    %iota3A_19 = tpu.iota {dimensions = array<i32: 0>} : vector<16xi32>
    %add3A_20 = arith.constant 32 : i32
    %add3A_21 = arith.addi %mul3A_2, %add3A_20 : i32
    %add3A_22 = vector.broadcast %add3A_21 : i32 to vector<16xi32>
    %add3A_23 = arith.addi %iota3A_19, %add3A_22 : vector<16xi32>
    %swap3A_24 = arith.constant 32 : index
    %swap3A_25 = tpu.vector_load %arg6[%swap3A_24] {strides = array<i32>} : memref<128xi32, #tpu.memory_space<vmem>>, vector<16xi32>,
    %swap3A_26 = vector.shape_cast %swap3A_25 : vector<16xi32> to vector<16xi32>
    %swap3A_27 = vector.shape_cast %add3A_23 : vector<16xi32> to vector<16xi32>
    tpu.vector_store %arg6[%swap3A_24], %swap3A_27 {strides = array<i32>} : memref<128xi32, #tpu.memory_space<vmem>>, vector<16xi32>,
    %iota3A_28 = tpu.iota {dimensions = array<i32: 0>} : vector<16xi32>
    %add3A_29 = arith.constant 48 : i32
    %add3A_30 = arith.addi %mul3A_2, %add3A_29 : i32
    %add3A_31 = vector.broadcast %add3A_30 : i32 to vector<16xi32>
    %add3A_32 = arith.addi %iota3A_28, %add3A_31 : vector<16xi32>
    %swap3A_33 = arith.constant 48 : index
    %swap3A_34 = tpu.vector_load %arg6[%swap3A_33] {strides = array<i32>} : memref<128xi32, #tpu.memory_space<vmem>>, vector<16xi32>,
    %swap3A_35 = vector.shape_cast %swap3A_34 : vector<16xi32> to vector<16xi32>
    %swap3A_36 = vector.shape_cast %add3A_32 : vector<16xi32> to vector<16xi32>
    tpu.vector_store %arg6[%swap3A_33], %swap3A_36 {strides = array<i32>} : memref<128xi32, #tpu.memory_space<vmem>>, vector<16xi32>,
    %iota3A_37 = tpu.iota {dimensions = array<i32: 0>} : vector<16xi32>
    %add3A_38 = arith.constant 64 : i32
    %add3A_39 = arith.addi %mul3A_2, %add3A_38 : i32
    %add3A_40 = vector.broadcast %add3A_39 : i32 to vector<16xi32>
    %add3A_41 = arith.addi %iota3A_37, %add3A_40 : vector<16xi32>
    %swap3A_42 = arith.constant 64 : index
    %swap3A_43 = tpu.vector_load %arg6[%swap3A_42] {strides = array<i32>} : memref<128xi32, #tpu.memory_space<vmem>>, vector<16xi32>,
    %swap3A_44 = vector.shape_cast %swap3A_43 : vector<16xi32> to vector<16xi32>
    %swap3A_45 = vector.shape_cast %add3A_41 : vector<16xi32> to vector<16xi32>
    tpu.vector_store %arg6[%swap3A_42], %swap3A_45 {strides = array<i32>} : memref<128xi32, #tpu.memory_space<vmem>>, vector<16xi32>,
    %iota3A_46 = tpu.iota {dimensions = array<i32: 0>} : vector<16xi32>
    %add3A_47 = arith.constant 80 : i32
    %add3A_48 = arith.addi %mul3A_2, %add3A_47 : i32
    %add3A_49 = vector.broadcast %add3A_48 : i32 to vector<16xi32>
    %add3A_50 = arith.addi %iota3A_46, %add3A_49 : vector<16xi32>
    %swap3A_51 = arith.constant 80 : index
    %swap3A_52 = tpu.vector_load %arg6[%swap3A_51] {strides = array<i32>} : memref<128xi32, #tpu.memory_space<vmem>>, vector<16xi32>,
    %swap3A_53 = vector.shape_cast %swap3A_52 : vector<16xi32> to vector<16xi32>
    %swap3A_54 = vector.shape_cast %add3A_50 : vector<16xi32> to vector<16xi32>
    tpu.vector_store %arg6[%swap3A_51], %swap3A_54 {strides = array<i32>} : memref<128xi32, #tpu.memory_space<vmem>>, vector<16xi32>,
    %iota3A_55 = tpu.iota {dimensions = array<i32: 0>} : vector<16xi32>
    %add3A_56 = arith.constant 96 : i32
    %add3A_57 = arith.addi %mul3A_2, %add3A_56 : i32
    %add3A_58 = vector.broadcast %add3A_57 : i32 to vector<16xi32>
    %add3A_59 = arith.addi %iota3A_55, %add3A_58 : vector<16xi32>
    %swap3A_60 = arith.constant 96 : index
    %swap3A_61 = tpu.vector_load %arg6[%swap3A_60] {strides = array<i32>} : memref<128xi32, #tpu.memory_space<vmem>>, vector<16xi32>,
    %swap3A_62 = vector.shape_cast %swap3A_61 : vector<16xi32> to vector<16xi32>
    %swap3A_63 = vector.shape_cast %add3A_59 : vector<16xi32> to vector<16xi32>
    tpu.vector_store %arg6[%swap3A_60], %swap3A_63 {strides = array<i32>} : memref<128xi32, #tpu.memory_space<vmem>>, vector<16xi32>,
    %iota3A_64 = tpu.iota {dimensions = array<i32: 0>} : vector<16xi32>
    %add3A_65 = arith.constant 112 : i32
    %add3A_66 = arith.addi %mul3A_2, %add3A_65 : i32
    %add3A_67 = vector.broadcast %add3A_66 : i32 to vector<16xi32>
    %add3A_68 = arith.addi %iota3A_64, %add3A_67 : vector<16xi32>
    %swap3A_69 = arith.constant 112 : index
    %swap3A_70 = tpu.vector_load %arg6[%swap3A_69] {strides = array<i32>} : memref<128xi32, #tpu.memory_space<vmem>>, vector<16xi32>,
    %swap3A_71 = vector.shape_cast %swap3A_70 : vector<16xi32> to vector<16xi32>
    %swap3A_72 = vector.shape_cast %add3A_68 : vector<16xi32> to vector<16xi32>
    tpu.vector_store %arg6[%swap3A_69], %swap3A_72 {strides = array<i32>} : memref<128xi32, #tpu.memory_space<vmem>>, vector<16xi32>,
    "tpu.region"() ({
      %run_scoped3A = tpu.sem_alloc : memref<!tpu.dma_semaphore, #tpu.memory_space<semaphore_mem>>
      %dma_start3A_79 = tpu.memref_slice %arg2[%mul3A_2] : memref<4096xi32, #tpu.memory_space<hbm>> -> memref<128xi32, #tpu.memory_space<hbm>>
      %dma_start3A_80 = tpu.memref_slice %arg2[%mul3A_2] : memref<4096xi32, #tpu.memory_space<hbm>> -> memref<128xi32, #tpu.memory_space<hbm>>
      tpu.enqueue_dma source(%dma_start3A_80 : memref<128xi32, #tpu.memory_space<hbm>>) target(%arg5 : memref<128xi32, #tpu.memory_space<vmem>>) target_semaphore(%run_scoped3A : memref<!tpu.dma_semaphore, #tpu.memory_space<semaphore_mem>>)
      %dma_wait3A_81 = tpu.memref_slice %arg2[%mul3A_2] : memref<4096xi32, #tpu.memory_space<hbm>> -> memref<128xi32, #tpu.memory_space<hbm>>
      %dma_wait3A_82 = tpu.memref_slice %arg2[%mul3A_2] : memref<4096xi32, #tpu.memory_space<hbm>> -> memref<128xi32, #tpu.memory_space<hbm>>
      tpu.wait_dma2 semaphore(%run_scoped3A : memref<!tpu.dma_semaphore, #tpu.memory_space<semaphore_mem>>) src(%dma_wait3A_82 : memref<128xi32, #tpu.memory_space<hbm>>) dst(%arg5 : memref<128xi32, #tpu.memory_space<vmem>>)
      tpu.yield
    }) : () -> ()
    %dma_start3A = arith.constant 0 : i32
    %dma_start3A_73 = tpu.memref_slice %arg4[%dma_start3A] : memref<10248xi32, #tpu.memory_space<hbm>> -> memref<10248xi32, #tpu.memory_space<hbm>>
    tpu.enqueue_indirect_dma source(%arg6 : memref<128xi32, #tpu.memory_space<vmem>>) target(%dma_start3A_73 : memref<10248xi32, #tpu.memory_space<hbm>>) offsets(%arg5 : memref<128xi32, #tpu.memory_space<vmem>>) semaphore(%arg7 : memref<!tpu.dma_semaphore, #tpu.memory_space<semaphore_mem>>)
    %dma_wait3A = arith.constant 0 : i32
    %dma_wait3A_74 = tpu.memref_slice %arg4[%dma_wait3A] : memref<10248xi32, #tpu.memory_space<hbm>> -> memref<10248xi32, #tpu.memory_space<hbm>>
    tpu.wait_indirect_dma semaphore(%arg7 : memref<!tpu.dma_semaphore, #tpu.memory_space<semaphore_mem>>) src(%arg6 : memref<128xi32, #tpu.memory_space<vmem>>) dst(%dma_wait3A_74 : memref<10248xi32, #tpu.memory_space<hbm>>)
    "tpu.region"() ({
      %run_scoped3A = tpu.sem_alloc : memref<!tpu.dma_semaphore, #tpu.memory_space<semaphore_mem>>
      %dma_start3A_79 = tpu.memref_slice %arg3[%mul3A_2] : memref<4096xi32, #tpu.memory_space<hbm>> -> memref<128xi32, #tpu.memory_space<hbm>>
      %dma_start3A_80 = tpu.memref_slice %arg3[%mul3A_2] : memref<4096xi32, #tpu.memory_space<hbm>> -> memref<128xi32, #tpu.memory_space<hbm>>
      tpu.enqueue_dma source(%dma_start3A_80 : memref<128xi32, #tpu.memory_space<hbm>>) target(%arg5 : memref<128xi32, #tpu.memory_space<vmem>>) target_semaphore(%run_scoped3A : memref<!tpu.dma_semaphore, #tpu.memory_space<semaphore_mem>>)
      %dma_wait3A_81 = tpu.memref_slice %arg3[%mul3A_2] : memref<4096xi32, #tpu.memory_space<hbm>> -> memref<128xi32, #tpu.memory_space<hbm>>
      %dma_wait3A_82 = tpu.memref_slice %arg3[%mul3A_2] : memref<4096xi32, #tpu.memory_space<hbm>> -> memref<128xi32, #tpu.memory_space<hbm>>
      tpu.wait_dma2 semaphore(%run_scoped3A : memref<!tpu.dma_semaphore, #tpu.memory_space<semaphore_mem>>) src(%dma_wait3A_82 : memref<128xi32, #tpu.memory_space<hbm>>) dst(%arg5 : memref<128xi32, #tpu.memory_space<vmem>>)
      tpu.yield
    }) : () -> ()
    %dma_start3A_75 = arith.constant 0 : i32
    %dma_start3A_76 = tpu.memref_slice %arg4[%dma_start3A_75] : memref<10248xi32, #tpu.memory_space<hbm>> -> memref<10248xi32, #tpu.memory_space<hbm>>
    tpu.enqueue_indirect_dma source(%arg6 : memref<128xi32, #tpu.memory_space<vmem>>) target(%dma_start3A_76 : memref<10248xi32, #tpu.memory_space<hbm>>) offsets(%arg5 : memref<128xi32, #tpu.memory_space<vmem>>) semaphore(%arg7 : memref<!tpu.dma_semaphore, #tpu.memory_space<semaphore_mem>>)
    %dma_wait3A_77 = arith.constant 0 : i32
    %dma_wait3A_78 = tpu.memref_slice %arg4[%dma_wait3A_77] : memref<10248xi32, #tpu.memory_space<hbm>> -> memref<10248xi32, #tpu.memory_space<hbm>>
    tpu.wait_indirect_dma semaphore(%arg7 : memref<!tpu.dma_semaphore, #tpu.memory_space<semaphore_mem>>) src(%arg6 : memref<128xi32, #tpu.memory_space<vmem>>) dst(%dma_wait3A_78 : memref<10248xi32, #tpu.memory_space<hbm>>)
    return
  }
}

module attributes {stable_mosaic.version = 14 : i64} {
  func.func @_pack_body(%arg0: i32, %arg1: memref<1x8x256xf32, #tpu.memory_space<vmem>>, %arg2: memref<1x1x256xi32, #tpu.memory_space<vmem>>, %arg3: memref<1x1x256xi32, #tpu.memory_space<vmem>>, %arg4: memref<1x1x256xi32, #tpu.memory_space<vmem>>, %arg5: memref<1x1x256xi32, #tpu.memory_space<vmem>>, %arg6: memref<1x1x256xf32, #tpu.memory_space<vmem>>, %arg7: memref<1x1x256xf32, #tpu.memory_space<vmem>>, %arg8: memref<8x128xf32, #tpu.memory_space<vmem>>, %arg9: memref<8x128xf32, #tpu.memory_space<vmem>>) attributes {dimension_semantics = [#tpu.dimension_semantics<arbitrary>], iteration_bounds = array<i64: 16>, scalar_prefetch = 0 : i64, scratch_operands = 1 : i64, tpu.core_type = #tpu.core_type<tc>, window_params = [{transform_indices = @transform_0, window_bounds = array<i64: 1, 8, 256>}, {transform_indices = @transform_1, window_bounds = array<i64: 1, 1, 256>}, {transform_indices = @transform_2, window_bounds = array<i64: 1, 1, 256>}, {transform_indices = @transform_3, window_bounds = array<i64: 1, 1, 256>}, {transform_indices = @transform_4, window_bounds = array<i64: 1, 1, 256>}, {transform_indices = @transform_5, window_bounds = array<i64: 1, 1, 256>}, {transform_indices = @transform_6, window_bounds = array<i64: 1, 1, 256>}, {pipeline_mode = #tpu.pipeline_mode<synchronous>, transform_indices = @transform_7, window_bounds = array<i64: 8, 128>}]} {
    %eq3A = arith.constant 0 : i32
    %eq3A_0 = arith.cmpi eq, %arg0, %eq3A : i32
    %convert_element_type3A = arith.extui %eq3A_0 : i1 to i32
    %cond3A = arith.constant 0 : i32
    %cond3A_1 = arith.cmpi ne, %convert_element_type3A, %cond3A : i32
    scf.if %cond3A_1 {
      %broadcast_in_dim3A_135 = arith.constant 0.000000e+00 : f32
      %broadcast_in_dim3A_136 = vector.broadcast %broadcast_in_dim3A_135 : f32 to vector<8x128xf32>
      %swap3A_137 = arith.constant 0 : index
      %swap3A_138 = arith.constant 0 : index
      %swap3A_139 = vector.load %arg9[%swap3A_137, %swap3A_138] : memref<8x128xf32, #tpu.memory_space<vmem>>, vector<8x128xf32>
      tpu.vector_store %arg9[%swap3A_137, %swap3A_138], %broadcast_in_dim3A_136 {strides = array<i32>} : memref<8x128xf32, #tpu.memory_space<vmem>>, vector<8x128xf32>,
    } else {
    }
    %get3A = arith.constant 0 : index
    %get3A_2 = arith.constant 0 : index
    %get3A_3 = arith.constant 0 : index
    %get3A_4 = vector.load %arg1[%get3A, %get3A_2, %get3A_3] : memref<1x8x256xf32, #tpu.memory_space<vmem>>, vector<1x8x256xf32>
    %get3A_5 = vector.shape_cast %get3A_4 : vector<1x8x256xf32> to vector<8x256xf32>
    %iota3A = tpu.iota {dimensions = array<i32: 0>} : vector<8x256xi32>
    %reduce_max3A = arith.constant dense<0xFF800000> : vector<256xf32>
    %reduce_max3A_6 = vector.multi_reduction <maximumf>, %get3A_5, %reduce_max3A [0] : vector<8x256xf32> to vector<256xf32>
    %broadcast_in_dim3A = vector.shape_cast %reduce_max3A_6 : vector<256xf32> to vector<1x256xf32>
    %eq3A_7 = vector.broadcast %broadcast_in_dim3A : vector<1x256xf32> to vector<8x256xf32>
    %eq3A_8 = arith.cmpf oeq, %get3A_5, %eq3A_7 : vector<8x256xf32>
    %jit3A = arith.constant 8 : i32
    %broadcast_in_dim3A_9 = vector.broadcast %jit3A : i32 to vector<8x256xi32>
    %select_n3A = arith.select %eq3A_8, %iota3A, %broadcast_in_dim3A_9 : vector<8x256xi1>, vector<8x256xi32>
    %reduce_min3A = arith.constant dense<2147483647> : vector<256xi32>
    %reduce_min3A_10 = vector.multi_reduction <minsi>, %select_n3A, %reduce_min3A [0] : vector<8x256xi32> to vector<256xi32>
    %broadcast_in_dim3A_11 = vector.shape_cast %reduce_min3A_10 : vector<256xi32> to vector<1x256xi32>
    %eq3A_12 = vector.broadcast %broadcast_in_dim3A_11 : vector<1x256xi32> to vector<8x256xi32>
    %eq3A_13 = arith.cmpi eq, %iota3A, %eq3A_12 : vector<8x256xi32>
    %jit3A_14 = arith.constant 0xFF800000 : f32
    %broadcast_in_dim3A_15 = vector.broadcast %jit3A_14 : f32 to vector<8x256xf32>
    %select_n3A_16 = arith.select %eq3A_13, %broadcast_in_dim3A_15, %get3A_5 : vector<8x256xi1>, vector<8x256xf32>
    %reduce_max3A_17 = arith.constant dense<0xFF800000> : vector<256xf32>
    %reduce_max3A_18 = vector.multi_reduction <maximumf>, %select_n3A_16, %reduce_max3A_17 [0] : vector<8x256xf32> to vector<256xf32>
    %broadcast_in_dim3A_19 = vector.shape_cast %reduce_max3A_18 : vector<256xf32> to vector<1x256xf32>
    %eq3A_20 = vector.broadcast %broadcast_in_dim3A_19 : vector<1x256xf32> to vector<8x256xf32>
    %eq3A_21 = arith.cmpf oeq, %select_n3A_16, %eq3A_20 : vector<8x256xf32>
    %jit3A_22 = arith.constant 8 : i32
    %broadcast_in_dim3A_23 = vector.broadcast %jit3A_22 : i32 to vector<8x256xi32>
    %select_n3A_24 = arith.select %eq3A_21, %iota3A, %broadcast_in_dim3A_23 : vector<8x256xi1>, vector<8x256xi32>
    %reduce_min3A_25 = arith.constant dense<2147483647> : vector<256xi32>
    %reduce_min3A_26 = vector.multi_reduction <minsi>, %select_n3A_24, %reduce_min3A_25 [0] : vector<8x256xi32> to vector<256xi32>
    %broadcast_in_dim3A_27 = vector.shape_cast %reduce_min3A_26 : vector<256xi32> to vector<1x256xi32>
    %eq3A_28 = vector.broadcast %broadcast_in_dim3A_27 : vector<1x256xi32> to vector<8x256xi32>
    %eq3A_29 = arith.cmpi eq, %iota3A, %eq3A_28 : vector<8x256xi32>
    %max3A = arith.maximumf %broadcast_in_dim3A, %broadcast_in_dim3A_19 : vector<1x256xf32>
    %sub3A = arith.subf %broadcast_in_dim3A, %max3A : vector<1x256xf32>
    %exp3A = math.exp %sub3A : vector<1x256xf32>
    %sub3A_30 = arith.subf %broadcast_in_dim3A_19, %max3A : vector<1x256xf32>
    %exp3A_31 = math.exp %sub3A_30 : vector<1x256xf32>
    %add3A = arith.addf %exp3A, %exp3A_31 : vector<1x256xf32>
    %add3A_32 = arith.constant 9.99999996E-13 : f32
    %add3A_33 = vector.broadcast %add3A_32 : f32 to vector<1x256xf32>
    %add3A_34 = arith.addf %add3A, %add3A_33 : vector<1x256xf32>
    %div3A = arith.divf %exp3A, %add3A_34 : vector<1x256xf32>
    %div3A_35 = arith.divf %exp3A_31, %add3A_34 : vector<1x256xf32>
    %convert_element_type3A_36 = arith.extui %eq3A_13 : vector<8x256xi1> to vector<8x256xi32>
    %convert_element_type3A_37 = arith.sitofp %convert_element_type3A_36 : vector<8x256xi32> to vector<8x256xf32>
    %convert_element_type3A_38 = arith.extui %eq3A_29 : vector<8x256xi1> to vector<8x256xi32>
    %convert_element_type3A_39 = arith.sitofp %convert_element_type3A_38 : vector<8x256xi32> to vector<8x256xf32>
    %add3A_40 = arith.addf %convert_element_type3A_37, %convert_element_type3A_39 : vector<8x256xf32>
    %iota3A_41 = tpu.iota {dimensions = array<i32: 0>} : vector<256x256xi32>
    %iota3A_42 = tpu.iota {dimensions = array<i32: 1>} : vector<256x256xi32>
    %lt3A = arith.cmpi slt, %iota3A_41, %iota3A_42 : vector<256x256xi32>
    %convert_element_type3A_43 = arith.extui %lt3A : vector<256x256xi1> to vector<256x256xi32>
    %convert_element_type3A_44 = arith.sitofp %convert_element_type3A_43 : vector<256x256xi32> to vector<256x256xf32>
    %dot_general3A = arith.constant dense<0.000000e+00> : vector<8x256xf32>
    %dot_general3A_45 = tpu.matmul %add3A_40, %convert_element_type3A_44, %dot_general3A {dimension_numbers = #tpu.dot_dimension_numbers<[1], [0], [0], [1], [0, 0, 1, 1], [], []>, transpose_lhs_hint = false} : vector<8x256xf32>, vector<256x256xf32>, vector<8x256xf32> -> vector<8x256xf32>
    %get3A_46 = arith.constant 0 : index
    %get3A_47 = arith.constant 0 : index
    %get3A_48 = vector.load %arg9[%get3A_46, %get3A_47] : memref<8x128xf32, #tpu.memory_space<vmem>>, vector<8x1xf32>
    %add3A_49 = vector.broadcast %get3A_48 : vector<8x1xf32> to vector<8x256xf32>
    %add3A_50 = arith.addf %dot_general3A_45, %add3A_49 : vector<8x256xf32>
    %mul3A = arith.mulf %convert_element_type3A_37, %add3A_50 : vector<8x256xf32>
    %reduce_sum3A = arith.constant dense<0.000000e+00> : vector<256xf32>
    %reduce_sum3A_51 = vector.multi_reduction <add>, %mul3A, %reduce_sum3A [0] : vector<8x256xf32> to vector<256xf32>
    %broadcast_in_dim3A_52 = vector.shape_cast %reduce_sum3A_51 : vector<256xf32> to vector<1x256xf32>
    %convert_element_type3A_53 = arith.fptosi %broadcast_in_dim3A_52 : vector<1x256xf32> to vector<1x256xi32>
    %mul3A_54 = arith.mulf %convert_element_type3A_39, %add3A_50 : vector<8x256xf32>
    %reduce_sum3A_55 = arith.constant dense<0.000000e+00> : vector<256xf32>
    %reduce_sum3A_56 = vector.multi_reduction <add>, %mul3A_54, %reduce_sum3A_55 [0] : vector<8x256xf32> to vector<256xf32>
    %broadcast_in_dim3A_57 = vector.shape_cast %reduce_sum3A_56 : vector<256xf32> to vector<1x256xf32>
    %convert_element_type3A_58 = arith.fptosi %broadcast_in_dim3A_57 : vector<1x256xf32> to vector<1x256xi32>
    %get3A_59 = arith.constant 0 : index
    %get3A_60 = arith.constant 0 : index
    %get3A_61 = vector.load %arg9[%get3A_59, %get3A_60] : memref<8x128xf32, #tpu.memory_space<vmem>>, vector<8x1xf32>
    %reduce_sum3A_62 = arith.constant dense<0.000000e+00> : vector<8xf32>
    %reduce_sum3A_63 = vector.multi_reduction <add>, %add3A_40, %reduce_sum3A_62 [1] : vector<8x256xf32> to vector<8xf32>
    %broadcast_in_dim3A_64 = vector.shape_cast %reduce_sum3A_63 : vector<8xf32> to vector<8x1xf32>
    %add3A_65 = arith.addf %get3A_61, %broadcast_in_dim3A_64 : vector<8x1xf32>
    %swap3A = arith.constant 0 : index
    %swap3A_66 = arith.constant 0 : index
    %swap3A_67 = vector.load %arg9[%swap3A, %swap3A_66] : memref<8x128xf32, #tpu.memory_space<vmem>>, vector<8x1xf32>
    tpu.vector_store %arg9[%swap3A, %swap3A_66], %add3A_65 {strides = array<i32>} : memref<8x128xf32, #tpu.memory_space<vmem>>, vector<8x1xf32>,
    %mul3A_68 = arith.constant 1280 : i32
    %mul3A_69 = vector.broadcast %mul3A_68 : i32 to vector<1x256xi32>
    %mul3A_70 = arith.muli %broadcast_in_dim3A_11, %mul3A_69 : vector<1x256xi32>
    %add3A_71 = arith.addi %mul3A_70, %convert_element_type3A_53 : vector<1x256xi32>
    %mul3A_72 = arith.constant 1280 : i32
    %mul3A_73 = vector.broadcast %mul3A_72 : i32 to vector<1x256xi32>
    %mul3A_74 = arith.muli %broadcast_in_dim3A_27, %mul3A_73 : vector<1x256xi32>
    %add3A_75 = arith.addi %mul3A_74, %convert_element_type3A_58 : vector<1x256xi32>
    %lt3A_76 = arith.constant 1280 : i32
    %lt3A_77 = vector.broadcast %lt3A_76 : i32 to vector<1x256xi32>
    %lt3A_78 = arith.cmpi slt, %convert_element_type3A_53, %lt3A_77 : vector<1x256xi32>
    %lt3A_79 = arith.constant 1280 : i32
    %lt3A_80 = vector.broadcast %lt3A_79 : i32 to vector<1x256xi32>
    %lt3A_81 = arith.cmpi slt, %convert_element_type3A_58, %lt3A_80 : vector<1x256xi32>
    %jit3A_82 = arith.constant 10240 : i32
    %broadcast_in_dim3A_83 = vector.broadcast %jit3A_82 : i32 to vector<1x256xi32>
    %select_n3A_84 = arith.select %lt3A_78, %add3A_71, %broadcast_in_dim3A_83 : vector<1x256xi1>, vector<1x256xi32>
    %reshape3A = vector.shape_cast %select_n3A_84 : vector<1x256xi32> to vector<1x1x256xi32>
    %swap3A_85 = arith.constant 0 : index
    %swap3A_86 = arith.constant 0 : index
    %swap3A_87 = arith.constant 0 : index
    %swap3A_88 = vector.load %arg2[%swap3A_85, %swap3A_86, %swap3A_87] : memref<1x1x256xi32, #tpu.memory_space<vmem>>, vector<1x1x256xi32>
    tpu.vector_store %arg2[%swap3A_85, %swap3A_86, %swap3A_87], %reshape3A {strides = array<i32>} : memref<1x1x256xi32, #tpu.memory_space<vmem>>, vector<1x1x256xi32>,
    %jit3A_89 = arith.constant 10240 : i32
    %broadcast_in_dim3A_90 = vector.broadcast %jit3A_89 : i32 to vector<1x256xi32>
    %select_n3A_91 = arith.select %lt3A_81, %add3A_75, %broadcast_in_dim3A_90 : vector<1x256xi1>, vector<1x256xi32>
    %reshape3A_92 = vector.shape_cast %select_n3A_91 : vector<1x256xi32> to vector<1x1x256xi32>
    %swap3A_93 = arith.constant 0 : index
    %swap3A_94 = arith.constant 0 : index
    %swap3A_95 = arith.constant 0 : index
    %swap3A_96 = vector.load %arg3[%swap3A_93, %swap3A_94, %swap3A_95] : memref<1x1x256xi32, #tpu.memory_space<vmem>>, vector<1x1x256xi32>
    tpu.vector_store %arg3[%swap3A_93, %swap3A_94, %swap3A_95], %reshape3A_92 {strides = array<i32>} : memref<1x1x256xi32, #tpu.memory_space<vmem>>, vector<1x1x256xi32>,
    %jit3A_97 = arith.constant 0 : i32
    %broadcast_in_dim3A_98 = vector.broadcast %jit3A_97 : i32 to vector<1x256xi32>
    %select_n3A_99 = arith.select %lt3A_78, %add3A_71, %broadcast_in_dim3A_98 : vector<1x256xi1>, vector<1x256xi32>
    %reshape3A_100 = vector.shape_cast %select_n3A_99 : vector<1x256xi32> to vector<1x1x256xi32>
    %swap3A_101 = arith.constant 0 : index
    %swap3A_102 = arith.constant 0 : index
    %swap3A_103 = arith.constant 0 : index
    %swap3A_104 = vector.load %arg4[%swap3A_101, %swap3A_102, %swap3A_103] : memref<1x1x256xi32, #tpu.memory_space<vmem>>, vector<1x1x256xi32>
    tpu.vector_store %arg4[%swap3A_101, %swap3A_102, %swap3A_103], %reshape3A_100 {strides = array<i32>} : memref<1x1x256xi32, #tpu.memory_space<vmem>>, vector<1x1x256xi32>,
    %jit3A_105 = arith.constant 0 : i32
    %broadcast_in_dim3A_106 = vector.broadcast %jit3A_105 : i32 to vector<1x256xi32>
    %select_n3A_107 = arith.select %lt3A_81, %add3A_75, %broadcast_in_dim3A_106 : vector<1x256xi1>, vector<1x256xi32>
    %reshape3A_108 = vector.shape_cast %select_n3A_107 : vector<1x256xi32> to vector<1x1x256xi32>
    %swap3A_109 = arith.constant 0 : index
    %swap3A_110 = arith.constant 0 : index
    %swap3A_111 = arith.constant 0 : index
    %swap3A_112 = vector.load %arg5[%swap3A_109, %swap3A_110, %swap3A_111] : memref<1x1x256xi32, #tpu.memory_space<vmem>>, vector<1x1x256xi32>
    tpu.vector_store %arg5[%swap3A_109, %swap3A_110, %swap3A_111], %reshape3A_108 {strides = array<i32>} : memref<1x1x256xi32, #tpu.memory_space<vmem>>, vector<1x1x256xi32>,
    %jit3A_113 = arith.constant 0.000000e+00 : f32
    %broadcast_in_dim3A_114 = vector.broadcast %jit3A_113 : f32 to vector<1x256xf32>
    %select_n3A_115 = arith.select %lt3A_78, %div3A, %broadcast_in_dim3A_114 : vector<1x256xi1>, vector<1x256xf32>
    %reshape3A_116 = vector.shape_cast %select_n3A_115 : vector<1x256xf32> to vector<1x1x256xf32>
    %swap3A_117 = arith.constant 0 : index
    %swap3A_118 = arith.constant 0 : index
    %swap3A_119 = arith.constant 0 : index
    %swap3A_120 = vector.load %arg6[%swap3A_117, %swap3A_118, %swap3A_119] : memref<1x1x256xf32, #tpu.memory_space<vmem>>, vector<1x1x256xf32>
    tpu.vector_store %arg6[%swap3A_117, %swap3A_118, %swap3A_119], %reshape3A_116 {strides = array<i32>} : memref<1x1x256xf32, #tpu.memory_space<vmem>>, vector<1x1x256xf32>,
    %jit3A_121 = arith.constant 0.000000e+00 : f32
    %broadcast_in_dim3A_122 = vector.broadcast %jit3A_121 : f32 to vector<1x256xf32>
    %select_n3A_123 = arith.select %lt3A_81, %div3A_35, %broadcast_in_dim3A_122 : vector<1x256xi1>, vector<1x256xf32>
    %reshape3A_124 = vector.shape_cast %select_n3A_123 : vector<1x256xf32> to vector<1x1x256xf32>
    %swap3A_125 = arith.constant 0 : index
    %swap3A_126 = arith.constant 0 : index
    %swap3A_127 = arith.constant 0 : index
    %swap3A_128 = vector.load %arg7[%swap3A_125, %swap3A_126, %swap3A_127] : memref<1x1x256xf32, #tpu.memory_space<vmem>>, vector<1x1x256xf32>
    tpu.vector_store %arg7[%swap3A_125, %swap3A_126, %swap3A_127], %reshape3A_124 {strides = array<i32>} : memref<1x1x256xf32, #tpu.memory_space<vmem>>, vector<1x1x256xf32>,
    %get3A_129 = arith.constant 0 : index
    %get3A_130 = arith.constant 0 : index
    %get3A_131 = vector.load %arg9[%get3A_129, %get3A_130] : memref<8x128xf32, #tpu.memory_space<vmem>>, vector<8x128xf32>
    %swap3A_132 = arith.constant 0 : index
    %swap3A_133 = arith.constant 0 : index
    %swap3A_134 = vector.load %arg8[%swap3A_132, %swap3A_133] : memref<8x128xf32, #tpu.memory_space<vmem>>, vector<8x128xf32>
    tpu.vector_store %arg8[%swap3A_132, %swap3A_133], %get3A_131 {strides = array<i32>} : memref<8x128xf32, #tpu.memory_space<vmem>>, vector<8x128xf32>,
    return
  }
  func.func @transform_0(%arg0: i32) -> (i32, i32, i32) {
    %c0_i32 = arith.constant 0 : i32
    %c0_i32_0 = arith.constant 0 : i32
    %c0_i32_1 = arith.constant 0 : i32
    return %c0_i32, %c0_i32_0, %arg0 : i32, i32, i32
  }
  func.func @transform_1(%arg0: i32) -> (i32, i32, i32) {
    %c0_i32 = arith.constant 0 : i32
    %c0_i32_0 = arith.constant 0 : i32
    %c0_i32_1 = arith.constant 0 : i32
    return %arg0, %c0_i32, %c0_i32_0 : i32, i32, i32
  }
  func.func @transform_2(%arg0: i32) -> (i32, i32, i32) {
    %c0_i32 = arith.constant 0 : i32
    %c0_i32_0 = arith.constant 0 : i32
    %c0_i32_1 = arith.constant 0 : i32
    return %arg0, %c0_i32, %c0_i32_0 : i32, i32, i32
  }
  func.func @transform_3(%arg0: i32) -> (i32, i32, i32) {
    %c0_i32 = arith.constant 0 : i32
    %c0_i32_0 = arith.constant 0 : i32
    %c0_i32_1 = arith.constant 0 : i32
    return %arg0, %c0_i32, %c0_i32_0 : i32, i32, i32
  }
  func.func @transform_4(%arg0: i32) -> (i32, i32, i32) {
    %c0_i32 = arith.constant 0 : i32
    %c0_i32_0 = arith.constant 0 : i32
    %c0_i32_1 = arith.constant 0 : i32
    return %arg0, %c0_i32, %c0_i32_0 : i32, i32, i32
  }
  func.func @transform_5(%arg0: i32) -> (i32, i32, i32) {
    %c0_i32 = arith.constant 0 : i32
    %c0_i32_0 = arith.constant 0 : i32
    %c0_i32_1 = arith.constant 0 : i32
    return %arg0, %c0_i32, %c0_i32_0 : i32, i32, i32
  }
  func.func @transform_6(%arg0: i32) -> (i32, i32, i32) {
    %c0_i32 = arith.constant 0 : i32
    %c0_i32_0 = arith.constant 0 : i32
    %c0_i32_1 = arith.constant 0 : i32
    return %arg0, %c0_i32, %c0_i32_0 : i32, i32, i32
  }
  func.func @transform_7(%arg0: i32) -> (i32, i32) {
    %c0_i32 = arith.constant 0 : i32
    %c0_i32_0 = arith.constant 0 : i32
    %c0_i32_1 = arith.constant 0 : i32
    return %c0_i32, %c0_i32_0 : i32, i32
  }
}

module attributes {stable_mosaic.version = 14 : i64} {
  func.func @_ffn_body(%arg0: i32, %arg1: i32, %arg2: memref<1x1280x1024xbf16, #tpu.memory_space<vmem>>, %arg3: memref<1x1024x1024xf32, #tpu.memory_space<vmem>>, %arg4: memref<1x1024x1024xf32, #tpu.memory_space<vmem>>, %arg5: memref<1x1280x1024xbf16, #tpu.memory_space<vmem>>, %arg6: memref<1280x1024xf32, #tpu.memory_space<vmem>>) attributes {dimension_semantics = [#tpu.dimension_semantics<arbitrary>, #tpu.dimension_semantics<arbitrary>], iteration_bounds = array<i64: 8, 4>, scalar_prefetch = 0 : i64, scratch_operands = 1 : i64, tpu.core_type = #tpu.core_type<tc>, window_params = [{transform_indices = @transform_0, window_bounds = array<i64: 1, 1280, 1024>}, {transform_indices = @transform_1, window_bounds = array<i64: 1, 1024, 1024>}, {transform_indices = @transform_2, window_bounds = array<i64: 1, 1024, 1024>}, {transform_indices = @transform_3, window_bounds = array<i64: 1, 1280, 1024>}]} {
    %get3A = arith.constant 0 : index
    %get3A_0 = arith.constant 0 : index
    %get3A_1 = arith.constant 0 : index
    %get3A_2 = vector.load %arg2[%get3A, %get3A_0, %get3A_1] : memref<1x1280x1024xbf16, #tpu.memory_space<vmem>>, vector<1x1280x1024xbf16>
    %get3A_3 = vector.shape_cast %get3A_2 : vector<1x1280x1024xbf16> to vector<1280x1024xbf16>
    %get3A_4 = arith.constant 0 : index
    %get3A_5 = arith.constant 0 : index
    %get3A_6 = arith.constant 0 : index
    %get3A_7 = vector.load %arg3[%get3A_4, %get3A_5, %get3A_6] : memref<1x1024x1024xf32, #tpu.memory_space<vmem>>, vector<1x1024x1024xf32>
    %get3A_8 = vector.shape_cast %get3A_7 : vector<1x1024x1024xf32> to vector<1024x1024xf32>
    %convert_element_type3A = arith.truncf %get3A_8 : vector<1024x1024xf32> to vector<1024x1024xbf16>
    %get3A_9 = arith.constant 0 : index
    %get3A_10 = arith.constant 0 : index
    %get3A_11 = arith.constant 0 : index
    %get3A_12 = vector.load %arg4[%get3A_9, %get3A_10, %get3A_11] : memref<1x1024x1024xf32, #tpu.memory_space<vmem>>, vector<1x1024x1024xf32>
    %get3A_13 = vector.shape_cast %get3A_12 : vector<1x1024x1024xf32> to vector<1024x1024xf32>
    %convert_element_type3A_14 = arith.truncf %get3A_13 : vector<1024x1024xf32> to vector<1024x1024xbf16>
    %dot_general3A = arith.constant dense<0.000000e+00> : vector<1280x1024xf32>
    %dot_general3A_15 = tpu.matmul %get3A_3, %convert_element_type3A, %dot_general3A {dimension_numbers = #tpu.dot_dimension_numbers<[1], [1], [0], [0], [0, 0, 1, 0], [], []>, transpose_lhs_hint = false} : vector<1280x1024xbf16>, vector<1024x1024xbf16>, vector<1280x1024xf32> -> vector<1280x1024xf32>
    %mul3A = arith.constant 5.000000e-01 : f32
    %mul3A_16 = vector.broadcast %mul3A : f32 to vector<1280x1024xf32>
    %mul3A_17 = arith.mulf %mul3A_16, %dot_general3A_15 : vector<1280x1024xf32>
    %mul3A_18 = arith.constant 0.707106769 : f32
    %mul3A_19 = vector.broadcast %mul3A_18 : f32 to vector<1280x1024xf32>
    %mul3A_20 = arith.mulf %dot_general3A_15, %mul3A_19 : vector<1280x1024xf32>
    %erf3A = math.erf %mul3A_20 : vector<1280x1024xf32>
    %add3A = arith.constant 1.000000e+00 : f32
    %add3A_21 = vector.broadcast %add3A : f32 to vector<1280x1024xf32>
    %add3A_22 = arith.addf %add3A_21, %erf3A : vector<1280x1024xf32>
    %mul3A_23 = arith.mulf %mul3A_17, %add3A_22 : vector<1280x1024xf32>
    %convert_element_type3A_24 = arith.truncf %mul3A_23 : vector<1280x1024xf32> to vector<1280x1024xbf16>
    %dot_general3A_25 = arith.constant dense<0.000000e+00> : vector<1280x1024xf32>
    %dot_general3A_26 = tpu.matmul %convert_element_type3A_24, %convert_element_type3A_14, %dot_general3A_25 {dimension_numbers = #tpu.dot_dimension_numbers<[1], [1], [0], [0], [0, 0, 1, 0], [], []>, transpose_lhs_hint = false} : vector<1280x1024xbf16>, vector<1024x1024xbf16>, vector<1280x1024xf32> -> vector<1280x1024xf32>
    %eq3A = arith.constant 0 : i32
    %eq3A_27 = arith.cmpi eq, %arg1, %eq3A : i32
    %convert_element_type3A_28 = arith.extui %eq3A_27 : i1 to i32
    %cond3A = arith.constant 0 : i32
    %cond3A_29 = arith.cmpi ne, %convert_element_type3A_28, %cond3A : i32
    scf.if %cond3A_29 {
      %swap3A = arith.constant 0 : index
      %swap3A_39 = arith.constant 0 : index
      %swap3A_40 = vector.load %arg6[%swap3A, %swap3A_39] : memref<1280x1024xf32, #tpu.memory_space<vmem>>, vector<1280x1024xf32>
      tpu.vector_store %arg6[%swap3A, %swap3A_39], %dot_general3A_26 {strides = array<i32>} : memref<1280x1024xf32, #tpu.memory_space<vmem>>, vector<1280x1024xf32>,
    } else {
    }
    %ne3A = arith.constant 0 : i32
    %ne3A_30 = arith.cmpi ne, %arg1, %ne3A : i32
    %convert_element_type3A_31 = arith.extui %ne3A_30 : i1 to i32
    %cond3A_32 = arith.constant 0 : i32
    %cond3A_33 = arith.cmpi ne, %convert_element_type3A_31, %cond3A_32 : i32
    scf.if %cond3A_33 {
      %get3A_39 = arith.constant 0 : index
      %get3A_40 = arith.constant 0 : index
      %get3A_41 = vector.load %arg6[%get3A_39, %get3A_40] : memref<1280x1024xf32, #tpu.memory_space<vmem>>, vector<1280x1024xf32>
      %add3A_42 = arith.addf %get3A_41, %dot_general3A_26 : vector<1280x1024xf32>
      %swap3A = arith.constant 0 : index
      %swap3A_43 = arith.constant 0 : index
      %swap3A_44 = vector.load %arg6[%swap3A, %swap3A_43] : memref<1280x1024xf32, #tpu.memory_space<vmem>>, vector<1280x1024xf32>
      tpu.vector_store %arg6[%swap3A, %swap3A_43], %add3A_42 {strides = array<i32>} : memref<1280x1024xf32, #tpu.memory_space<vmem>>, vector<1280x1024xf32>,
    } else {
    }
    %eq3A_34 = arith.constant 3 : i32
    %eq3A_35 = arith.cmpi eq, %arg1, %eq3A_34 : i32
    %convert_element_type3A_36 = arith.extui %eq3A_35 : i1 to i32
    %cond3A_37 = arith.constant 0 : i32
    %cond3A_38 = arith.cmpi ne, %convert_element_type3A_36, %cond3A_37 : i32
    scf.if %cond3A_38 {
      %get3A_39 = arith.constant 0 : index
      %get3A_40 = arith.constant 0 : index
      %get3A_41 = vector.load %arg6[%get3A_39, %get3A_40] : memref<1280x1024xf32, #tpu.memory_space<vmem>>, vector<1280x1024xf32>
      %convert_element_type3A_42 = arith.truncf %get3A_41 : vector<1280x1024xf32> to vector<1280x1024xbf16>
      %swap3A = arith.constant 0 : index
      %swap3A_43 = arith.constant 0 : index
      %swap3A_44 = arith.constant 0 : index
      %swap3A_45 = vector.load %arg5[%swap3A, %swap3A_43, %swap3A_44] : memref<1x1280x1024xbf16, #tpu.memory_space<vmem>>, vector<1x1280x1024xbf16>
      %swap3A_46 = vector.shape_cast %swap3A_45 : vector<1x1280x1024xbf16> to vector<1280x1024xbf16>
      %swap3A_47 = vector.shape_cast %convert_element_type3A_42 : vector<1280x1024xbf16> to vector<1x1280x1024xbf16>
      tpu.vector_store %arg5[%swap3A, %swap3A_43, %swap3A_44], %swap3A_47 {strides = array<i32>} : memref<1x1280x1024xbf16, #tpu.memory_space<vmem>>, vector<1x1280x1024xbf16>,
    } else {
    }
    return
  }
  func.func @transform_0(%arg0: i32, %arg1: i32) -> (i32, i32, i32) {
    %c0_i32 = arith.constant 0 : i32
    %c0_i32_0 = arith.constant 0 : i32
    %c0_i32_1 = arith.constant 0 : i32
    return %arg0, %c0_i32, %c0_i32_0 : i32, i32, i32
  }
  func.func @transform_1(%arg0: i32, %arg1: i32) -> (i32, i32, i32) {
    %c0_i32 = arith.constant 0 : i32
    %c0_i32_0 = arith.constant 0 : i32
    return %arg0, %arg1, %c0_i32 : i32, i32, i32
  }
  func.func @transform_2(%arg0: i32, %arg1: i32) -> (i32, i32, i32) {
    %c0_i32 = arith.constant 0 : i32
    %c0_i32_0 = arith.constant 0 : i32
    return %arg0, %c0_i32, %arg1 : i32, i32, i32
  }
  func.func @transform_3(%arg0: i32, %arg1: i32) -> (i32, i32, i32) {
    %c0_i32 = arith.constant 0 : i32
    %c0_i32_0 = arith.constant 0 : i32
    %c0_i32_1 = arith.constant 0 : i32
    return %arg0, %c0_i32, %c0_i32_0 : i32, i32, i32
  }
}

</mosaic_0001>

<sc_bundles>
// kernel: kernel.5.cloned.1.call-start
scs
__scs_entry_jumppad:
0x0: {  	(pc) =	sbr.rel $0x88, $3  }
0x1: {  	(tag) =	ssettag $0x0;
	lr =	simm.s32 $0x1  }
0x2: {  	[smem:$0x3F9D] =	sst lr;
	_ =	strace $0xD0000000  }
0x3: {  	_ = 	snop  }
0x4: {  	_ = 	snop  }
0x5: {  	_ = 	snop  }
0x6: {  	_ = 	snop  }
0x7: {  	_ = 	snop  }
__scs_overlays_trampoline_lowered:
0x8: {  	[smem:$0x3FAC] =	sst s0  }
0x9: {  	[smem:$0x3FAD] =	sst s1  }
0xa: {  	[smem:$0x3FAE] =	sst s2  }
0xb: {  	[smem:$0x3FAF] =	sst s3  }
0xc: {  	[smem:$0x3FB0] =	sst s4  }
0xd: {  	[smem:$0x3FB1] =	sst s5  }
0xe: {  	[smem:$0x3FB2] =	sst s6  }
0xf: {  	[smem:$0x3FB3] =	sst s7  }
0x10: {  	[smem:$0x3FB4] =	sst s8  }
0x11: {  	[smem:$0x3FB5] =	sst s9;
	s0 =	simm.s32 @!p0 $0x0  }
0x12: {  	s1 =	sld [smem:$0x3F9B];
	s0 =	simm.s32 @p0 $0x1  }
0x13: {  	[smem:$0x3FB6] =	sst s0;
	s0 =	simm.s32 @!p1 $0x0  }
0x14: {  	s2 =	sld [smem:$0x3F9A];
	s0 =	simm.s32 @p1 $0x1  }
0x15: {  	[smem:$0x3FB7] =	sst s0;
	s0 =	simm.s32 @!p2 $0x0  }
0x16: {  	s3 =	sld [smem:$0x3FDB];
	s0 =	simm.s32 @p2 $0x1  }
0x17: {  	s4 =	simm.s32 $0x1BF5;
	[smem:$0x3FB9] =	sst s0  }
0x18: {  	s0 =	sld [smem:$0x3F9C];
	_ =	swait.ge [sflag:s4], $0x0  }
0x19: {  	s7 =	sld [smem:$0x3F9D]  }
0x1a: {  	s8 =	sadd.s32 $0xFFFFE003, lr  }
0x1b: {  	s9 =	sadd.s32 $0xFFFFFEF7, lr;
	s5 =	simm.s32 $0xFFFFFFFF;
	p2 =	slt.u32 s8, $0xFFFFF086  }
0x1c: {  	p1 =	slt.u32 s9, $0xF7A;
	s5 =	simm.s32 @!p2 $0x0  }
0x1d: {  	s5 =	simm.s32 @p1 $0x1;
	p0 =	seq.s32 s7, s2  }
0x1e: {  	s7 =	smul.u32 @!p0 $0xF7A, s2;
	p2 =	seq.s32 @!p0 s5, $0x0  }
0x1f: {  	s9 =	smul.u32 $0xF7A, s1;
	s8 =	simm.s32 @!p0 $0x1BF5;
	p2 =	por !p2, p0  }
0x20: {  	[sflag:s8] =	ssyncset.s32 @!p0 $0xFFFFF086;
	s6 =	sadd.s32 @!p0 s3, s7;
	s7 =	simm.s32 @!p0 $0x108  }
0x21: {  	s3 =	sadd.s32 s3, s9;
	s6 =	sadd.s32 @!p0 $0x88, s6;
	s7 =	simm.s32 @p2 $0x1082  }
0x22: {  	[simem:s7], [sflag:s8] =	dma.local @!p0 [hbm:s6], $0xF7A  }
0x23: {  	s9 =	sor.u32 $0xD0000000, s2;
	s6 =	simm.s32 $0x108;
	_ =	swait.ge @!p0 [sflag:s8], $0x0  }
0x24: {  	s3 =	sadd.s32 $0x88, s3;
	s6 =	simm.s32 @!p1 $0x1082;
	[sflag:s4] =	ssyncset.s32 $0xFFFFF086  }
0x25: {  	[simem:s6], [sflag:s4] =	dma.local [hbm:s3], $0xF7A  }
0x26: {  	[smem:$0x3F9D] =	sst s1;
	(tag) =	ssettag s2;
	_ =	strace s9  }
0x27: {  	s1 =	sld [smem:$0x3FAD]  }
0x28: {  	s2 =	sld [smem:$0x3FAE]  }
0x29: {  	s4 =	sld [smem:$0x3FB0]  }
0x2a: {  	p0 =	seq.s32 s5, $0x0;
	s5 =	sld [smem:$0x3FB1]  }
0x2b: {  	s6 =	sld [smem:$0x3FB2]  }
0x2c: {  	s7 =	sld [smem:$0x3FB3]  }
0x2d: {  	s3 =	simm.s32 $0x108;
	s8 =	sld [smem:$0x3FB4]  }
0x2e: {  	s3 =	simm.s32 @!p0 $0x1082;
	s9 =	sld [smem:$0x3FB5]  }
0x2f: {  	lr =	sadd.s32 s0, s3;
	s0 =	sld [smem:$0x3FAC]  }
0x30: {  	s3 =	sld [smem:$0x3FAF]  }
0x31: {  	[smem:$0x3FB8] =	sst s10  }
0x32: {  	s10 =	sld [smem:$0x3FB6];
	_ =	sdelay $0x3  }
0x33: {  	p0 =	seq.s32 s10, $0x1;
	s10 =	sld [smem:$0x3FB8];
	_ =	sdelay $0x3  }
0x34: {  	[smem:$0x3FB8] =	sst s10  }
0x35: {  	s10 =	sld [smem:$0x3FB7];
	_ =	sdelay $0x3  }
0x36: {  	p1 =	seq.s32 s10, $0x1;
	s10 =	sld [smem:$0x3FB8];
	_ =	sdelay $0x3  }
0x37: {  	[smem:$0x3FB8] =	sst s10  }
0x38: {  	s10 =	sld [smem:$0x3FB9]  }
0x39: {  	_ = 	snop;
	(pc) =	sbr.ind lr, $3  }
0x3a: {  	_ = 	snop  }
0x3b: {  	_ = 	snop  }
0x3c: {  	p2 =	seq.s32 s10, $0x1;
	s10 =	sld [smem:$0x3FB8]  }
0x3d: {  	_ =	shalt  }
0x3e: {  	_ =	shalt  }
0x3f: {  	_ =	shalt  }
0x40: {  	_ =	shalt  }
0x41: {  	_ =	shalt  }
0x42: {  	_ =	shalt  }
0x43: {  	_ =	shalt  }
0x44: {  	_ =	shalt  }
0x45: {  	_ =	shalt  }
0x46: {  	_ =	shalt  }
0x47: {  	_ =	shalt  }
0x48: {  	_ =	shalt  }
0x49: {  	_ =	shalt  }
0x4a: {  	_ =	shalt  }
0x4b: {  	_ =	shalt  }
0x4c: {  	_ =	shalt  }
0x4d: {  	_ =	shalt  }
0x4e: {  	_ =	shalt  }
0x4f: {  	_ =	shalt  }
0x50: {  	_ =	shalt  }
0x51: {  	_ =	shalt  }
0x52: {  	_ =	shalt  }
0x53: {  	_ =	shalt  }
0x54: {  	_ =	shalt  }
0x55: {  	_ =	shalt  }
0x56: {  	_ =	shalt  }
0x57: {  	_ =	shalt  }
0x58: {  	_ =	shalt  }
0x59: {  	_ =	shalt  }
0x5a: {  	_ =	shalt  }
0x5b: {  	_ =	shalt  }
0x5c: {  	_ =	shalt  }
0x5d: {  	_ =	shalt  }
0x5e: {  	_ =	shalt  }
0x5f: {  	_ =	shalt  }
0x60: {  	_ =	shalt  }
0x61: {  	_ =	shalt  }
0x62: {  	_ =	shalt  }
0x63: {  	_ =	shalt  }
0x64: {  	_ =	shalt  }
0x65: {  	_ =	shalt  }
0x66: {  	_ =	shalt  }
0x67: {  	_ =	shalt  }
0x68: {  	_ =	shalt  }
0x69: {  	_ =	shalt  }
0x6a: {  	_ =	shalt  }
0x6b: {  	_ =	shalt  }
0x6c: {  	_ =	shalt  }
0x6d: {  	_ =	shalt  }
0x6e: {  	_ =	shalt  }
0x6f: {  	_ =	shalt  }
0x70: {  	_ =	shalt  }
0x71: {  	_ =	shalt  }
0x72: {  	_ =	shalt  }
0x73: {  	_ =	shalt  }
0x74: {  	_ =	shalt  }
0x75: {  	_ =	shalt  }
0x76: {  	_ =	shalt  }
0x77: {  	_ =	shalt  }
0x78: {  	_ =	shalt  }
0x79: {  	_ =	shalt  }
0x7a: {  	_ =	shalt  }
0x7b: {  	_ =	shalt  }
0x7c: {  	_ =	shalt  }
0x7d: {  	_ =	shalt  }
0x7e: {  	_ =	shalt  }
0x7f: {  	_ =	shalt  }
0x80: {  	_ =	shalt  }
0x81: {  	_ =	shalt  }
0x82: {  	_ =	shalt  }
0x83: {  	_ =	shalt  }
0x84: {  	_ =	shalt  }
0x85: {  	_ =	shalt  }
0x86: {  	_ =	shalt  }
0x87: {  	_ =	shalt  }
.Lfunc_end0:
.L_simem_size_0:
called_computation_lowered:
.L_overlay_start_0:
0x88: {  	s2 =	sld [smem:$0x3FD9]  }
0x89: {  	s3 =	sld [smem:$0x3FFE];
	_ =	sdelay $0x1  }
0x8a: {  	s1 =	srdreg.scid  }
0x8b: {  	s0 =	sand.u32 $0x1, s1  }
0x8c: {  	s17 =	sshll.u32 s0, $0xA;
	s2 =	sadd.s32 s3, s2  }
0x8d: {  	s2 =	sadd.s32 s2, s17  }
0x8e: {  	[smem:$0x3FC4] =	sst s2  }
0x8f: {  	_ = 	snop  }
0x90: {  	s2 =	sld [smem:$0x3FD0];
	(tm) =	ssettm $0x1  }
0x91: {  	s18 =	sld [smem:$0x3FFB];
	_ =	sdelay $0x3  }
0x92: {  	_ =	strace s18  }
0x93: {  	s3 =	sld [smem:$0x3FFC];
	_ =	sdelay $0x3  }
0x94: {  	_ =	strace s3  }
0x95: {  	s3 =	sld [smem:$0x3FFD];
	_ =	sdelay $0x3  }
0x96: {  	_ =	strace s3  }
0x97: {  	_ =	strace $0x8FFFFFFF  }
0x98: {  	s19 =	sld [smem:$0x3FDB];
	_ =	sdelay $0x1  }
0x99: {  	s4 =	simm.s32 $_scs_section_size  }
0x9a: {  	s5 =	simm.s32 $_size__tile_overlayer_lowered;
	s6 =	simm.s32 $_tile_overlayer_lowered  }
0x9b: {  	s22 =	simm.s32 $0x1BFF;
	s21 =	sshll.u32 s6, $0x1;
	s3 =	sadd.s32 s4, s19  }
0x9c: {  	s7 =	simm.s32 $0x0;
	s20 =	sshll.u32 s5, $0x1;
	s5 =	sadd.s32 s21, s3  }
0x9d: {  	[timem:s7], [sflag:s22] =	dma.local [hbm:s5], s20  }
0x9e: {  	_ =	swait.ge [sflag:s22], s20  }
0x9f: {  	s4 =	ssub.s32 $0x0, s20;
	[sflag:s22] =	ssyncset.done $0x0  }
0xa0: {  	[sflag:s22] =	ssyncadd.s32 s4;
	_ =	sdelay $0x1  }
0xa1: {  	s23 =	simm.s32 $0x1B8B  }
0xa2: {  	_ =	swait.ge [sflag:s23], $0x1  }
0xa3: {  	[sflag:s23] =	ssyncset.done $0x0  }
0xa4: {  	s25 =	simm.s32 $0x1B8E;
	s24 =	sld [smem:$0x3FFE];
	[sflag:s23] =	ssyncadd.s32 $0xFFFFFFFF  }
0xa5: {  	s26 =	simm.s32 $execute0_lowered;
	[smem:$0x3FD2] =	sst s25  }
0xa6: {  	s5 =	sshll.u32 s26, $0x1;
	_ =	strace $0x80000046;
	[dreg:$0x1] =	wrdreg $0xFFFFFFFF  }
0xa7: {  	s28 =	simm.s32 $_size_execute0_lowered;
	s3 =	sadd.s32 s3, s5;
	[dreg:$0x0] =	wrdreg $0x0  }
0xa8: {  	s5 =	sshll.u32 s28, $0x1;
	[dreg:$0x2] =	wrdreg s3  }
0xa9: {  	[dreg:$0x3] =	wrdreg s5  }
0xaa: {  	[dreg:$0x4] =	wrdreg $0xC0  }
0xab: {  	_ =	task [dreg:s7], $0x5FFFF  }
0xac: {  	[dreg:$0x1] =	wrdreg $0xFFFFFFFF  }
0xad: {  	[dreg:$0x0] =	wrdreg $0x60  }
0xae: {  	[dreg:$0x2] =	wrdreg s24  }
0xaf: {  	[dreg:$0x3] =	wrdreg s2  }
0xb0: {  	[dreg:$0x4] =	wrdreg $0x9  }
0xb1: {  	_ =	task.clear_ibuf [dreg:s7], $0x5FFFF;
	_ =	strace $0x90000046  }
0xb2: {  	s29 =	simm.s32 $0x9;
	_ =	strace $0x80000048  }
0xb3: {  	_ =	swait.ge [sflag:s29], $0x1  }
0xb4: {  	[sflag:s29] =	ssyncadd.s32 $0xFFFFFFFF  }
0xb5: {  	_ =	strace $0x90000048  }
0xb6: {  	_ =	sfence  }
0xb7: {  	s30 =	sld [smem:$0x0];
	_ =	sdelay $0x2  }
0xb8: {  	s31 =	sshll.u32 s1, $0xD;
	s1 =	sshrl.u32 s1, $0x2  }
0xb9: {  	s3 =	sand.u32 $0x4000, s31;
	s1 =	sadd.s32 s1, s30  }
0xba: {  	s0 =	sor.u32 s3, s0;
	s1 =	sshll.u32 s1, $0x11  }
0xbb: {  	s0 =	sor.u32 s1, s0  }
0xbc: {  	s0 =	sadd.s32 $0x8F2B, s0  }
0xbd: {  	[sflag:s0] =	ssyncadd.remote.s32 $0x1  }
0xbe: {  	_ =	sfence.sel $0xFFFF  }
0xbf: {  	[dreg:$0x0] =	wrdreg $0xFFFFFFFF;
	(pc) =	sbr.abs _section_cstart, $3  }
0xc0: {  	[dreg:$0x1] =	wrdreg $0xFFFFFFFF  }
0xc1: {  	_ =	task.clear_ibuf [dreg:s7], $0x2FFFF;
	_ =	strace $0x9FFFFFFF  }
0xc2: {  	(tm) =	ssettm $0x7FFFFFFF  }
0xc3: {  	_ =	shalt  }
tec
execute0_lowered:
.L_overlay_start_1:
0x0: {  	(tag) =	ssettag $0x1  }
0x1: {  	s1 =	srdreg.scid  }
0x2: {  	s0 =	stileid.u32;
	s8 =	sand.u32 $0x1, s1  }
0x3: {  	s4 =	rddreg [dreg:$0x0];
	s5 =	sshll.u32 s0, $0x8;
	s6 =	sshll.u32 s8, $0x7  }
0x4: {  	s2 =	rddreg [dreg:$0x1];
	s3 =	simm.s32 $0x0;
	v7 =	vlaneseq.u32;
	s5 =	sor.u32 s6, s5  }
0x5: {  	[smem:$0x7FF] =	sst s3;
	s6 =	sor.u32 $0x20, s5;
	v3 =	vor.u32 s5, v7  }
0x6: {  	s1 =	rddreg [dreg:$0x2];
	_ =	strace $0x80000047;
	s25 =	sor.u32 $0x30, s5;
	v0 =	vor.u32 s6, v7;
	[tilespmem:$0x80] =	vst v3  }
0x7: {  	s26 =	sor.u32 $0x40, s5;
	v1 =	vor.u32 s25, v7;
	[tilespmem:$0xA0] =	vst v0  }
0x8: {  	s28 =	sor.u32 $0x70, s5;
	v2 =	vor.u32 s26, v7;
	[tilespmem:$0xB0] =	vst v1  }
0x9: {  	s7 =	sor.u32 $0x60, s5;
	v4 =	vor.u32 s28, v7;
	[tilespmem:$0xC0] =	vst v2  }
0xa: {  	s29 =	sor.u32 $0x50, s5;
	v5 =	vor.u32 s7, v7;
	[tilespmem:$0xF0] =	vst v4  }
0xb: {  	s30 =	sshrl.u32 s5, $0x3;
	s5 =	sor.u32 $0x10, s5;
	v6 =	vor.u32 s29, v7;
	[tilespmem:$0xE0] =	vst v5  }
0xc: {  	s9 =	sadd.s32 s30, s4;
	v7 =	vor.u32 s5, v7;
	[tilespmem:$0xD0] =	vst v6  }
0xd: {  	s5 =	simm.s32 $0x2;
	s4 =	sadd.s32 $0x1A00, s9;
	[tilespmem:$0x90] =	vst v7  }
0xe: {  	[tilespmem:s3], [sflag:$0x2] =	stream.linear.gather [hbm4b:s4+s3], $0x80, $0x38;
	[tilespmem:$0x100] =	vst v63  }
0xf: {  	_ =	swait.ge [sflag:s5], $0x80  }
0x10: {  	s10 =	ssub.s32 $0x2, s8;
	[sflag:s5] =	ssyncset.done $0x0  }
0x11: {  	s7 =	simm.s32 $0x80;
	s6 =	simm.s32 $0x1;
	[sflag:s5] =	ssyncadd.s32 $0xFFFFFF80  }
0x12: {  	[hbm4b:s2+s7] =	stream.indirect.scatter [tilespmem:s7], [sflag:$0x1], $0x1, s3, s7, $0xb8;
	[tilespmem:$0x100] =	vst v63  }
0x13: {  	s31 =	sshrl.u32 s10, $0x1;
	_ =	swait.ge [sflag:s6], $0x80  }
0x14: {  	s8 =	sadd.s32 $0x1C00, s9;
	s9 =	ssub.s32 s10, s31;
	[sflag:s6] =	ssyncset.done $0x0  }
0x15: {  	s9 =	smax.u32 s9, $0x1;
	[sflag:s6] =	ssyncadd.s32 $0xFFFFFF80  }
0x16: {  	[tilespmem:s3], [sflag:$0x2] =	stream.linear.gather [hbm4b:s8+s3], $0x80, $0x38;
	[tilespmem:$0x100] =	vst v63  }
0x17: {  	p0 =	sne.s32 s9, $0x1;
	_ =	swait.ge [sflag:s5], $0x80  }
.Ltmp0:
0x18: {  	[sflag:s5] =	ssyncset.done $0x0;
	(pc) =	sbr.rel @!p0 .LBB2_2-.Ltmp0, $4  }
0x19: {  	[sflag:s5] =	ssyncadd.s32 $0xFFFFFF80  }
0x1a: {  	[hbm4b:s2+s7] =	stream.indirect.scatter [tilespmem:s7], [sflag:$0x1], $0x1, s3, s7, $0xb8;
	[tilespmem:$0x100] =	vst v63  }
0x1b: {  	_ =	swait.ge [sflag:s6], $0x80  }
0x1c: {  	s9 =	sadd.s32 $0xFFFFFFFF, s9;
	[sflag:s6] =	ssyncset.done $0x0  }
.LBB2_1:
0x1d: {  	p0 =	sne.s32 s9, $0x1;
	s9 =	sadd.s32 $0xFFFFFFFF, s9;
	[sflag:s6] =	ssyncadd.s32 $0xFFFFFF80  }
0x1e: {  	[tilespmem:$0xA0] =	vst v0  }
0x1f: {  	[tilespmem:$0xB0] =	vst v1  }
0x20: {  	[tilespmem:$0xC0] =	vst v2  }
0x21: {  	[tilespmem:$0x80] =	vst v3  }
0x22: {  	[tilespmem:$0xF0] =	vst v4  }
0x23: {  	[tilespmem:$0xE0] =	vst v5  }
0x24: {  	[tilespmem:$0xD0] =	vst v6  }
0x25: {  	[tilespmem:$0x90] =	vst v7  }
0x26: {  	[tilespmem:s3], [sflag:$0x2] =	stream.linear.gather [hbm4b:s4+s3], $0x80, $0x38;
	[tilespmem:$0x100] =	vst v63  }
0x27: {  	_ =	swait.ge [sflag:s5], $0x80  }
0x28: {  	[sflag:s5] =	ssyncset.done $0x0  }
0x29: {  	[sflag:s5] =	ssyncadd.s32 $0xFFFFFF80  }
0x2a: {  	[hbm4b:s2+s7] =	stream.indirect.scatter [tilespmem:s7], [sflag:$0x1], $0x1, s3, s7, $0xb8;
	[tilespmem:$0x100] =	vst v63  }
0x2b: {  	_ =	swait.ge [sflag:s6], $0x80  }
0x2c: {  	[sflag:s6] =	ssyncset.done $0x0  }
0x2d: {  	[sflag:s6] =	ssyncadd.s32 $0xFFFFFF80  }
0x2e: {  	[tilespmem:s3], [sflag:$0x2] =	stream.linear.gather [hbm4b:s8+s3], $0x80, $0x38;
	[tilespmem:$0x100] =	vst v63  }
0x2f: {  	_ =	swait.ge [sflag:s5], $0x80  }
.Ltmp1:
0x30: {  	[sflag:s5] =	ssyncset.done $0x0;
	(pc) =	sbr.rel @p0 .LBB2_1-.Ltmp1, $4  }
0x31: {  	[sflag:s5] =	ssyncadd.s32 $0xFFFFFF80  }
0x32: {  	[hbm4b:s2+s7] =	stream.indirect.scatter [tilespmem:s7], [sflag:$0x1], $0x1, s3, s7, $0xb8;
	[tilespmem:$0x100] =	vst v63  }
0x33: {  	_ =	swait.ge [sflag:s6], $0x80  }
0x34: {  	[sflag:s6] =	ssyncset.done $0x0  }
.LBB2_2:
0x35: {  	[sflag:s6] =	ssyncadd.s32 $0xFFFFFF80  }
0x36: {  	_ =	sfence.sel $0x180000  }
0x37: {  	[bflag:$0x0] =	sbarrier.arrive $0xFFFF  }
0x38: {  	p0 =	sne.s32 s0, $0x0;
	_ =	strace $0x90000047  }
0x39: {  	s0 =	sadd.s32 @!p0 $0x100000, s1;
	[bflag:$0x2] =	sbarrier.arrive $0xFFFF  }
0x3a: {  	[sflag:s0] =	ssyncadd.tile.s32 @!p0 $0x1;
	_ =	shalt  }
.Lfunc_end2:
_tile_overlayer_lowered:
.L_overlay_start_2:
0x3b: {  	(tag) =	ssettag $0x2  }
0x3c: {  	s0 =	rddreg [dreg:$0x0];
	s2 =	stileid.u32  }
0x3d: {  	s1 =	rddreg [dreg:$0x1];
	p0 =	sne.s32 s2, $0x0  }
0x3e: {  	s3 =	rddreg [dreg:$0x2];
	[bflag:$0x3] =	sbarrier.arrive $0xFFFF;
	s2 =	simm.s32 @!p0 $0x1C02  }
0x3f: {  	[timem:s3], [sflag:s2] =	dma.local @!p0 [hbm:s0], s1  }
0x40: {  	s0 =	simm.s32 @!p0 $0x2  }
0x41: {  	_ =	swait.ge @!p0 [sflag:s0], s1  }
0x42: {  	s1 =	ssub.s32 @!p0 $0x0, s1;
	[sflag:s0] =	ssyncset.done @!p0 $0x0  }
0x43: {  	[sflag:s0] =	ssyncadd.s32 @!p0 s1  }
0x44: {  	[bflag:$0x3] =	sbarrier.arrive $0xFFFF  }
0x45: {  	_ =	shalt  }

</sc_bundles>
